<compile_context>
chip_gen: v7x
topology: tpu7x:2x2x1
jax: 0.10.2.dev20260603
libtpu: 0.0.44.dev20260713+nightly
codegen_flags: <defaults>
</compile_context>

<pallas_src>
import jax
import jax.numpy as jnp
from jax import lax
from jax.experimental import pallas as pl

M = 100000
Z = 128
K = 100
BM = 2048
MPAD = 100352
PADV = 3.0e38


def _dist_body(q_ref, t_ref, q2_ref, t2_ref, out_ref):
    q = q_ref[...]
    t = t_ref[...]
    mm = jax.lax.dot_general(q, t, (((1,), (1,)), ((), ())),
                             preferred_element_type=jnp.float32)
    out_ref[...] = q2_ref[...] + t2_ref[...] - 2.0 * mm


def _distances(q, tpad, q2, t2pad, bt):
    return pl.pallas_call(
        _dist_body,
        grid=(MPAD // BM,),
        in_specs=[
            pl.BlockSpec((bt, Z), lambda i: (0, 0)),
            pl.BlockSpec((BM, Z), lambda i: (i, 0)),
            pl.BlockSpec((bt, 1), lambda i: (0, 0)),
            pl.BlockSpec((1, BM), lambda i: (0, i)),
        ],
        out_specs=pl.BlockSpec((bt, BM), lambda i: (0, i)),
        out_shape=jax.ShapeDtypeStruct((bt, MPAD), jnp.float32),
    )(q, tpad, q2, t2pad)


def kernel(query_batch, targets):
    B, T, Zd = query_batch.shape
    bt = B * T
    q = query_batch.reshape(bt, Zd)
    tpad = jnp.pad(targets, ((0, MPAD - M), (0, 0)))
    q2 = jnp.sum(q * q, axis=1, keepdims=True)
    t2 = jnp.sum(targets * targets, axis=1)
    t2pad = jnp.pad(t2, (0, MPAD - M), constant_values=PADV)[None, :]
    d = _distances(q, tpad, q2, t2pad, bt)
    neg_topk, idx = lax.top_k(-d, K)
    dists = -neg_topk
    probabilities = jax.nn.softmax(-dists, axis=-1)
    states = jnp.take(targets, idx, axis=0)
    probabilities = probabilities.reshape(B, T, K)
    states = states.reshape(B, T, K, Zd)
    return probabilities, states

# --- scband reference (transcript-rebuilt; emitter-appended) ---
"""Pipeline reference for scband-reference-sampler-68221260529947 (READ-ONLY COPY).

The authoritative reference and input builder live on the scoring server;
editing this copy changes nothing except your own understanding.
"""

import jax, jax.numpy as jnp
import numpy as np

M = 100000  # number of reference pose encodings (faiss index size)
Z = 128     # pose encoding dim
K = 100     # self.k in the module


def setup_inputs(seed: int = 0) -> dict:
    key = jax.random.key(seed)
    k1, k2 = jax.random.split(key)
    query_batch = jax.random.normal(k1, (16, 50, Z), dtype=jnp.float32)
    # learned/constant parameter: the faiss IndexFlatL2 database (self.targets)
    targets = jax.random.normal(k2, (M, Z), dtype=jnp.float32)
    return {"query_batch": query_batch, "targets": targets}


def reference(query_batch, targets):
    """Faithful JAX translation of the computable core of ReferenceSampler:
    the faiss IndexFlatL2 k-NN search (emission_probabilities_and_states),
    applied to every sequence in the batch.

    - faiss.IndexFlatL2.search returns SQUARED L2 distances and indices of
      the k nearest database vectors.
    - probabilities = exp(-distances) / exp(-distances).sum(-1, keepdims)
      (computed in a numerically stable way; mathematically identical to
      softmax(-distances)).
    - states = self.targets[states_idx]
    (The Viterbi portion of the original forward references undefined
    variables / is non-executable pseudo-code, so the reference covers the
    well-defined retrieval computation.)
    """
    B, T, Zd = query_batch.shape
    q = query_batch.reshape(B * T, Zd)
    # squared L2 distance matrix, as computed by IndexFlatL2
    q2 = jnp.sum(q * q, axis=1, keepdims=True)          # [BT, 1]
    t2 = jnp.sum(targets * targets, axis=1)[None, :]     # [1, M]
    d = q2 + t2 - 2.0 * (q @ targets.T)                  # [BT, M]
    neg_topk, idx = jax.lax.top_k(-d, K)                 # k nearest (smallest d)
    dists = -neg_topk                                    # [BT, K]
    # exp(-d) / sum(exp(-d)) == softmax(-d) (stable)
    probabilities = jax.nn.softmax(-dists, axis=-1)      # [BT, K]
    states = jnp.take(targets, idx, axis=0)              # [BT, K, Z]
    probabilities = probabilities.reshape(B, T, K)
    states = states.reshape(B, T, K, Zd)
    return probabilities, states

if __name__ == "__main__":
    import jax
    _d = setup_inputs()
    print(jax.jit(kernel)(*tuple(_d.values())))

</pallas_src>

<mosaic_0001>
module attributes {stable_mosaic.version = 14 : i64} {
  func.func @_dist_body(%arg0: i32, %arg1: memref<800x128xf32, #tpu.memory_space<vmem>>, %arg2: memref<2048x128xf32, #tpu.memory_space<vmem>>, %arg3: memref<800x1xf32, #tpu.memory_space<vmem>>, %arg4: memref<1x2048xf32, #tpu.memory_space<vmem>>, %arg5: memref<800x2048xf32, #tpu.memory_space<vmem>>) attributes {dimension_semantics = [#tpu.dimension_semantics<arbitrary>], iteration_bounds = array<i64: 49>, scalar_prefetch = 0 : i64, scratch_operands = 0 : i64, tpu.core_type = #tpu.core_type<tc>, window_params = [{pipeline_mode = #tpu.pipeline_mode<synchronous>, transform_indices = @transform_0, window_bounds = array<i64: 800, 128>}, {transform_indices = @transform_1, window_bounds = array<i64: 2048, 128>}, {pipeline_mode = #tpu.pipeline_mode<synchronous>, transform_indices = @transform_2, window_bounds = array<i64: 800, 1>}, {transform_indices = @transform_3, window_bounds = array<i64: 1, 2048>}, {transform_indices = @transform_4, window_bounds = array<i64: 800, 2048>}]} {
    %get3A = arith.constant 0 : index
    %get3A_0 = arith.constant 0 : index
    %get3A_1 = vector.load %arg1[%get3A, %get3A_0] : memref<800x128xf32, #tpu.memory_space<vmem>>, vector<800x128xf32>
    %get3A_2 = arith.constant 0 : index
    %get3A_3 = arith.constant 0 : index
    %get3A_4 = vector.load %arg2[%get3A_2, %get3A_3] : memref<2048x128xf32, #tpu.memory_space<vmem>>, vector<2048x128xf32>
    %dot_general3A = arith.constant dense<0.000000e+00> : vector<800x2048xf32>
    %dot_general3A_5 = tpu.matmul %get3A_1, %get3A_4, %dot_general3A {dimension_numbers = #tpu.dot_dimension_numbers<[1], [1], [0], [0], [0, 0, 1, 0], [], []>, transpose_lhs_hint = false} : vector<800x128xf32>, vector<2048x128xf32>, vector<800x2048xf32> -> vector<800x2048xf32>
    %get3A_6 = arith.constant 0 : index
    %get3A_7 = arith.constant 0 : index
    %get3A_8 = vector.load %arg3[%get3A_6, %get3A_7] : memref<800x1xf32, #tpu.memory_space<vmem>>, vector<800x1xf32>
    %get3A_9 = arith.constant 0 : index
    %get3A_10 = arith.constant 0 : index
    %get3A_11 = vector.load %arg4[%get3A_9, %get3A_10] : memref<1x2048xf32, #tpu.memory_space<vmem>>, vector<1x2048xf32>
    %add3A = vector.broadcast %get3A_8 : vector<800x1xf32> to vector<800x2048xf32>
    %add3A_12 = vector.broadcast %get3A_11 : vector<1x2048xf32> to vector<800x2048xf32>
    %add3A_13 = arith.addf %add3A, %add3A_12 : vector<800x2048xf32>
    %mul3A = arith.constant 2.000000e+00 : f32
    %mul3A_14 = vector.broadcast %mul3A : f32 to vector<800x2048xf32>
    %mul3A_15 = arith.mulf %mul3A_14, %dot_general3A_5 : vector<800x2048xf32>
    %sub3A = arith.subf %add3A_13, %mul3A_15 : vector<800x2048xf32>
    %swap3A = arith.constant 0 : index
    %swap3A_16 = arith.constant 0 : index
    %swap3A_17 = vector.load %arg5[%swap3A, %swap3A_16] : memref<800x2048xf32, #tpu.memory_space<vmem>>, vector<800x2048xf32>
    tpu.vector_store %arg5[%swap3A, %swap3A_16], %sub3A {strides = array<i32>} : memref<800x2048xf32, #tpu.memory_space<vmem>>, vector<800x2048xf32>,
    return
  }
  func.func @transform_0(%arg0: i32) -> (i32, i32) {
    %c0_i32 = arith.constant 0 : i32
    %c0_i32_0 = arith.constant 0 : i32
    %c0_i32_1 = arith.constant 0 : i32
    return %c0_i32, %c0_i32_0 : i32, i32
  }
  func.func @transform_1(%arg0: i32) -> (i32, i32) {
    %c0_i32 = arith.constant 0 : i32
    %c0_i32_0 = arith.constant 0 : i32
    return %arg0, %c0_i32 : i32, i32
  }
  func.func @transform_2(%arg0: i32) -> (i32, i32) {
    %c0_i32 = arith.constant 0 : i32
    %c0_i32_0 = arith.constant 0 : i32
    %c0_i32_1 = arith.constant 0 : i32
    return %c0_i32, %c0_i32_0 : i32, i32
  }
  func.func @transform_3(%arg0: i32) -> (i32, i32) {
    %c0_i32 = arith.constant 0 : i32
    %c0_i32_0 = arith.constant 0 : i32
    return %c0_i32, %arg0 : i32, i32
  }
  func.func @transform_4(%arg0: i32) -> (i32, i32) {
    %c0_i32 = arith.constant 0 : i32
    %c0_i32_0 = arith.constant 0 : i32
    return %c0_i32, %arg0 : i32, i32
  }
}

</mosaic_0001>

<sc_bundles>
// kernel: gather_offload_async_start
scs
__scs_entry_jumppad:
0x0: {  	(pc) =	sbr.rel $0x88, $3  }
0x1: {  	(tag) =	ssettag $0x0;
	lr =	simm.s32 $0x1  }
0x2: {  	[smem:$0x3F9F] =	sst lr;
	_ =	strace $0xD0000000  }
0x3: {  	_ = 	snop  }
0x4: {  	_ = 	snop  }
0x5: {  	_ = 	snop  }
0x6: {  	_ = 	snop  }
0x7: {  	_ = 	snop  }
__scs_overlays_trampoline_lowered:
0x8: {  	[smem:$0x3FAE] =	sst s0  }
0x9: {  	[smem:$0x3FAF] =	sst s1  }
0xa: {  	[smem:$0x3FB0] =	sst s2  }
0xb: {  	[smem:$0x3FB1] =	sst s3  }
0xc: {  	[smem:$0x3FB2] =	sst s4  }
0xd: {  	[smem:$0x3FB3] =	sst s5  }
0xe: {  	[smem:$0x3FB4] =	sst s6  }
0xf: {  	[smem:$0x3FB5] =	sst s7  }
0x10: {  	[smem:$0x3FB6] =	sst s8  }
0x11: {  	[smem:$0x3FB7] =	sst s9;
	s0 =	simm.s32 @!p0 $0x0  }
0x12: {  	s1 =	sld [smem:$0x3F9D];
	s0 =	simm.s32 @p0 $0x1  }
0x13: {  	[smem:$0x3FB8] =	sst s0;
	s0 =	simm.s32 @!p1 $0x0  }
0x14: {  	s2 =	sld [smem:$0x3F9C];
	s0 =	simm.s32 @p1 $0x1  }
0x15: {  	[smem:$0x3FB9] =	sst s0;
	s0 =	simm.s32 @!p2 $0x0  }
0x16: {  	s3 =	sld [smem:$0x3FDB];
	s0 =	simm.s32 @p2 $0x1  }
0x17: {  	s4 =	simm.s32 $0x1BF5;
	[smem:$0x3FBB] =	sst s0  }
0x18: {  	s0 =	sld [smem:$0x3F9E];
	_ =	swait.ge [sflag:s4], $0x0  }
0x19: {  	s7 =	sld [smem:$0x3F9F]  }
0x1a: {  	s8 =	sadd.s32 $0xFFFFE003, lr  }
0x1b: {  	s9 =	sadd.s32 $0xFFFFFEF7, lr;
	s5 =	simm.s32 $0xFFFFFFFF;
	p2 =	slt.u32 s8, $0xFFFFF086  }
0x1c: {  	p1 =	slt.u32 s9, $0xF7A;
	s5 =	simm.s32 @!p2 $0x0  }
0x1d: {  	s5 =	simm.s32 @p1 $0x1;
	p0 =	seq.s32 s7, s2  }
0x1e: {  	s7 =	smul.u32 @!p0 $0xF7A, s2;
	p2 =	seq.s32 @!p0 s5, $0x0  }
0x1f: {  	s9 =	smul.u32 $0xF7A, s1;
	s8 =	simm.s32 @!p0 $0x1BF5;
	p2 =	por !p2, p0  }
0x20: {  	[sflag:s8] =	ssyncset.s32 @!p0 $0xFFFFF086;
	s6 =	sadd.s32 @!p0 s3, s7;
	s7 =	simm.s32 @!p0 $0x108  }
0x21: {  	s3 =	sadd.s32 s3, s9;
	s6 =	sadd.s32 @!p0 $0x88, s6;
	s7 =	simm.s32 @p2 $0x1082  }
0x22: {  	[simem:s7], [sflag:s8] =	dma.local @!p0 [hbm:s6], $0xF7A  }
0x23: {  	s9 =	sor.u32 $0xD0000000, s2;
	s6 =	simm.s32 $0x108;
	_ =	swait.ge @!p0 [sflag:s8], $0x0  }
0x24: {  	s3 =	sadd.s32 $0x88, s3;
	s6 =	simm.s32 @!p1 $0x1082;
	[sflag:s4] =	ssyncset.s32 $0xFFFFF086  }
0x25: {  	[simem:s6], [sflag:s4] =	dma.local [hbm:s3], $0xF7A  }
0x26: {  	[smem:$0x3F9F] =	sst s1;
	(tag) =	ssettag s2;
	_ =	strace s9  }
0x27: {  	s1 =	sld [smem:$0x3FAF]  }
0x28: {  	s2 =	sld [smem:$0x3FB0]  }
0x29: {  	s4 =	sld [smem:$0x3FB2]  }
0x2a: {  	p0 =	seq.s32 s5, $0x0;
	s5 =	sld [smem:$0x3FB3]  }
0x2b: {  	s6 =	sld [smem:$0x3FB4]  }
0x2c: {  	s7 =	sld [smem:$0x3FB5]  }
0x2d: {  	s3 =	simm.s32 $0x108;
	s8 =	sld [smem:$0x3FB6]  }
0x2e: {  	s3 =	simm.s32 @!p0 $0x1082;
	s9 =	sld [smem:$0x3FB7]  }
0x2f: {  	lr =	sadd.s32 s0, s3;
	s0 =	sld [smem:$0x3FAE]  }
0x30: {  	s3 =	sld [smem:$0x3FB1]  }
0x31: {  	[smem:$0x3FBA] =	sst s10  }
0x32: {  	s10 =	sld [smem:$0x3FB8];
	_ =	sdelay $0x3  }
0x33: {  	p0 =	seq.s32 s10, $0x1;
	s10 =	sld [smem:$0x3FBA];
	_ =	sdelay $0x3  }
0x34: {  	[smem:$0x3FBA] =	sst s10  }
0x35: {  	s10 =	sld [smem:$0x3FB9];
	_ =	sdelay $0x3  }
0x36: {  	p1 =	seq.s32 s10, $0x1;
	s10 =	sld [smem:$0x3FBA];
	_ =	sdelay $0x3  }
0x37: {  	[smem:$0x3FBA] =	sst s10  }
0x38: {  	s10 =	sld [smem:$0x3FBB]  }
0x39: {  	_ = 	snop;
	(pc) =	sbr.ind lr, $3  }
0x3a: {  	_ = 	snop  }
0x3b: {  	_ = 	snop  }
0x3c: {  	p2 =	seq.s32 s10, $0x1;
	s10 =	sld [smem:$0x3FBA]  }
0x3d: {  	_ =	shalt  }
0x3e: {  	_ =	shalt  }
0x3f: {  	_ =	shalt  }
0x40: {  	_ =	shalt  }
0x41: {  	_ =	shalt  }
0x42: {  	_ =	shalt  }
0x43: {  	_ =	shalt  }
0x44: {  	_ =	shalt  }
0x45: {  	_ =	shalt  }
0x46: {  	_ =	shalt  }
0x47: {  	_ =	shalt  }
0x48: {  	_ =	shalt  }
0x49: {  	_ =	shalt  }
0x4a: {  	_ =	shalt  }
0x4b: {  	_ =	shalt  }
0x4c: {  	_ =	shalt  }
0x4d: {  	_ =	shalt  }
0x4e: {  	_ =	shalt  }
0x4f: {  	_ =	shalt  }
0x50: {  	_ =	shalt  }
0x51: {  	_ =	shalt  }
0x52: {  	_ =	shalt  }
0x53: {  	_ =	shalt  }
0x54: {  	_ =	shalt  }
0x55: {  	_ =	shalt  }
0x56: {  	_ =	shalt  }
0x57: {  	_ =	shalt  }
0x58: {  	_ =	shalt  }
0x59: {  	_ =	shalt  }
0x5a: {  	_ =	shalt  }
0x5b: {  	_ =	shalt  }
0x5c: {  	_ =	shalt  }
0x5d: {  	_ =	shalt  }
0x5e: {  	_ =	shalt  }
0x5f: {  	_ =	shalt  }
0x60: {  	_ =	shalt  }
0x61: {  	_ =	shalt  }
0x62: {  	_ =	shalt  }
0x63: {  	_ =	shalt  }
0x64: {  	_ =	shalt  }
0x65: {  	_ =	shalt  }
0x66: {  	_ =	shalt  }
0x67: {  	_ =	shalt  }
0x68: {  	_ =	shalt  }
0x69: {  	_ =	shalt  }
0x6a: {  	_ =	shalt  }
0x6b: {  	_ =	shalt  }
0x6c: {  	_ =	shalt  }
0x6d: {  	_ =	shalt  }
0x6e: {  	_ =	shalt  }
0x6f: {  	_ =	shalt  }
0x70: {  	_ =	shalt  }
0x71: {  	_ =	shalt  }
0x72: {  	_ =	shalt  }
0x73: {  	_ =	shalt  }
0x74: {  	_ =	shalt  }
0x75: {  	_ =	shalt  }
0x76: {  	_ =	shalt  }
0x77: {  	_ =	shalt  }
0x78: {  	_ =	shalt  }
0x79: {  	_ =	shalt  }
0x7a: {  	_ =	shalt  }
0x7b: {  	_ =	shalt  }
0x7c: {  	_ =	shalt  }
0x7d: {  	_ =	shalt  }
0x7e: {  	_ =	shalt  }
0x7f: {  	_ =	shalt  }
0x80: {  	_ =	shalt  }
0x81: {  	_ =	shalt  }
0x82: {  	_ =	shalt  }
0x83: {  	_ =	shalt  }
0x84: {  	_ =	shalt  }
0x85: {  	_ =	shalt  }
0x86: {  	_ =	shalt  }
0x87: {  	_ =	shalt  }
.Lfunc_end0:
.L_simem_size_0:
called_computation.1_lowered:
.L_overlay_start_0:
0x88: {  	s2 =	sld [smem:$0x3FD9]  }
0x89: {  	s3 =	sld [smem:$0x3FFE];
	_ =	sdelay $0x1  }
0x8a: {  	s1 =	srdreg.scid  }
0x8b: {  	s0 =	sand.u32 $0x1, s1  }
0x8c: {  	s14 =	sshll.u32 s0, $0xA;
	s2 =	sadd.s32 s3, s2  }
0x8d: {  	s2 =	sadd.s32 s2, s14  }
0x8e: {  	[smem:$0x3FC6] =	sst s2  }
0x8f: {  	_ = 	snop  }
0x90: {  	s2 =	sld [smem:$0x3FD0];
	_ =	sdelay $0x2  }
0x91: {  	s4 =	simm.s32 $0xA;
	s5 =	simm.s32 $0x10;
	s15 =	sld [smem:$0x3FC8]  }
0x92: {  	[smem:s5], [sflag:s4] =	dma.local [hbm:s2], $0x1  }
0x93: {  	_ =	swait.eq [sflag:s4], $0x1  }
0x94: {  	[sflag:s4] =	ssyncset.done $0x0  }
0x95: {  	[sflag:s4] =	ssyncadd.s32 $0xFFFFFFFF  }
0x96: {  	s16 =	sld [smem:$0x11];
	(tm) =	ssettm $0x1  }
0x97: {  	s17 =	sld [smem:$0x3FFB];
	_ =	sdelay $0x3  }
0x98: {  	_ =	strace s17  }
0x99: {  	s4 =	sld [smem:$0x3FFC];
	_ =	sdelay $0x3  }
0x9a: {  	_ =	strace s4  }
0x9b: {  	s4 =	sld [smem:$0x3FFD];
	_ =	sdelay $0x3  }
0x9c: {  	_ =	strace s4  }
0x9d: {  	_ =	strace $0x8FFFFFFF  }
0x9e: {  	s18 =	sld [smem:$0x3FDB];
	_ =	sdelay $0x1  }
0x9f: {  	s19 =	simm.s32 $_scs_section_size  }
0xa0: {  	s6 =	simm.s32 $_size__tile_overlayer_lowered;
	s7 =	simm.s32 $_tile_overlayer_lowered  }
0xa1: {  	s22 =	simm.s32 $0x1BFF;
	s21 =	sshll.u32 s7, $0x1;
	s4 =	sadd.s32 s19, s18  }
0xa2: {  	s8 =	simm.s32 $0x0;
	s20 =	sshll.u32 s6, $0x1;
	s6 =	sadd.s32 s21, s4  }
0xa3: {  	[timem:s8], [sflag:s22] =	dma.local [hbm:s6], s20  }
0xa4: {  	_ =	swait.ge [sflag:s22], s20  }
0xa5: {  	s5 =	ssub.s32 $0x0, s20;
	[sflag:s22] =	ssyncset.done $0x0  }
0xa6: {  	[sflag:s22] =	ssyncadd.s32 s5;
	_ =	sdelay $0x1  }
0xa7: {  	s23 =	simm.s32 $0x1B8B  }
0xa8: {  	_ =	swait.ge [sflag:s23], $0x1  }
0xa9: {  	[sflag:s23] =	ssyncset.done $0x0  }
0xaa: {  	s25 =	simm.s32 $0x1B8E;
	s24 =	sld [smem:$0x3FFE];
	[sflag:s23] =	ssyncadd.s32 $0xFFFFFFFF  }
0xab: {  	s26 =	simm.s32 $execute0_lowered;
	[smem:$0x3FD2] =	sst s25  }
0xac: {  	s6 =	sshll.u32 s26, $0x1;
	_ =	strace $0x80000046;
	[dreg:$0x1] =	wrdreg $0xFFFFFFFF  }
0xad: {  	s28 =	simm.s32 $_size_execute0_lowered;
	s4 =	sadd.s32 s4, s6;
	[dreg:$0x0] =	wrdreg $0x0  }
0xae: {  	s6 =	sshll.u32 s28, $0x1;
	[dreg:$0x2] =	wrdreg s4  }
0xaf: {  	[dreg:$0x3] =	wrdreg s6  }
0xb0: {  	[dreg:$0x4] =	wrdreg $0xC0  }
0xb1: {  	_ =	task [dreg:s8], $0x5FFFF  }
0xb2: {  	[dreg:$0x1] =	wrdreg $0xFFFFFFFF  }
0xb3: {  	[dreg:$0x0] =	wrdreg $0x60  }
0xb4: {  	[dreg:$0x2] =	wrdreg s15  }
0xb5: {  	[dreg:$0x3] =	wrdreg s24  }
0xb6: {  	[dreg:$0x4] =	wrdreg s16  }
0xb7: {  	[dreg:$0x5] =	wrdreg $0x9  }
0xb8: {  	_ =	task.clear_ibuf [dreg:s8], $0x6FFFF;
	_ =	strace $0x90000046  }
0xb9: {  	s29 =	simm.s32 $0x9;
	_ =	strace $0x80000048  }
0xba: {  	_ =	swait.ge [sflag:s29], $0x1  }
0xbb: {  	[sflag:s29] =	ssyncadd.s32 $0xFFFFFFFF  }
0xbc: {  	_ =	strace $0x90000048  }
0xbd: {  	_ =	sfence  }
0xbe: {  	s30 =	sld [smem:$0x0];
	_ =	sdelay $0x2  }
0xbf: {  	s31 =	sshll.u32 s1, $0xD;
	s1 =	sshrl.u32 s1, $0x2  }
0xc0: {  	s3 =	sand.u32 $0x4000, s31;
	s1 =	sadd.s32 s1, s30  }
0xc1: {  	s0 =	sor.u32 s3, s0;
	s1 =	sshll.u32 s1, $0x11  }
0xc2: {  	s0 =	sor.u32 s1, s0  }
0xc3: {  	s0 =	sadd.s32 $0x8F2B, s0  }
0xc4: {  	[sflag:s0] =	ssyncadd.remote.s32 $0x1  }
0xc5: {  	_ =	sfence.sel $0xFFFF  }
0xc6: {  	[dreg:$0x0] =	wrdreg $0xFFFFFFFF;
	(pc) =	sbr.abs _section_cstart, $3  }
0xc7: {  	[dreg:$0x1] =	wrdreg $0xFFFFFFFF  }
0xc8: {  	_ =	task.clear_ibuf [dreg:s8], $0x2FFFF;
	_ =	strace $0x9FFFFFFF  }
0xc9: {  	(tm) =	ssettm $0x7FFFFFFF  }
tec
execute0_lowered:
.L_overlay_start_1:
0x0: {  	(tag) =	ssettag $0x1  }
0x1: {  	s0 =	srdreg.scid  }
0x2: {  	s1 =	sshll.u32 s0, $0x4  }
0x3: {  	s0 =	stileid.u32;
	s1 =	sand.u32 $0x10, s1  }
0x4: {  	s2 =	sor.u32 s0, s1  }
0x5: {  	s1 =	smul.u32 $0x7, s2  }
0x6: {  	s3 =	smin.u32 s2, $0x1A  }
0x7: {  	s1 =	sadd.s32 s3, s1  }
0x8: {  	p0 =	slt.u32 s2, $0x1A;
	s2 =	simm.s32 $0xA00;
	s1 =	smul.u32 $0x140, s1  }
0x9: {  	s2 =	simm.s32 @!p0 $0x8C0  }
0xa: {  	s2 =	sadd.s32 s2, s1  }
0xb: {  	s3 =	smin.u32 s2, $0x13880  }
0xc: {  	s7 =	ssub.s32 s3, s1  }
0xd: {  	p0 =	sgt.s32 s7, $0x0  }
0xe: {  	s4 =	rddreg [dreg:$0x0];
	s7 =	simm.s32 @!p0 $0x0  }
0xf: {  	s9 =	rddreg [dreg:$0x1];
	s31 =	smulhi.u32 $0x66666667, s7  }
0x10: {  	s5 =	rddreg [dreg:$0x2]  }
0x11: {  	s6 =	simm.s32 $0x1;
	s11 =	simm.s32 $0x3;
	s8 =	sshrl.u32 s31, $0x7  }
0x12: {  	s13 =	simm.s32 $0x0;
	s12 =	simm.s32 $0x0;
	s10 =	smul.u32 $0x140, s8  }
.Ltmp0:
0x13: {  	s9 =	sadd.s32 $0x3200, s9;
	s2 =	rddreg [dreg:$0x3];
	(pc) =	sbr.rel .LBB2_1-.Ltmp0, $4  }
0x14: {  	_ =	strace $0x80000047;
	p0 =	sne.s32 s7, s10;
	s10 =	simm.s32 $0x1  }
0x15: {  	[sflag:s6] =	ssyncpa.u1 $0x0;
	s7 =	simm.s32 $0x2;
	s10 =	simm.s32 @!p0 $0x0  }
0x16: {  	[sflag:s7] =	ssyncpa.u1 $0x0;
	p0 =	por $0x0, $0x0;
	s8 =	sadd.s32 s10, s8  }
0x17: {  	vm0 =	vmmov $0xff;
	vm1 =	vcmask $0x3F20;
	[sflag:s11] =	ssyncpa.u1 $0x0;
	s11 =	smov.u32 s1;
	s10 =	sadd.s32 $0x1, s8  }
.LBB2_6:
0x18: {  	[hbm:s17] =	stream.linear.scatter [tilespmem:s14], [sflag:$0x3], $0x400, $0x38;
	[tilespmem:$0x14280] =	vst v63  }
.LBB2_7:
0x19: {  	s13 =	sadd.s32 $0x140, s11  }
0x1a: {  	s15 =	smov.u32 s1;
	p2 =	slt.s32 s13, s3  }
0x1b: {  	s15 =	smov.u32 @p2 s13;
	p2 =	sne.s32 s12, s10  }
.Ltmp1:
0x1c: {  	p1 =	slt.u32 s12, $0x2;
	(pc) =	sbr.rel @!p2 .LBB2_8-.Ltmp1, $4  }
0x1d: {  	s14 =	simm.s32 @!p1 $0x3  }
0x1e: {  	s16 =	sadd.s32 $0x1, s12;
	_ =	swait.ge @!p1 [sflag:s14], $0xA000  }
0x1f: {  	p0 =	por !p0, !p0;
	s13 =	smov.u32 s11;
	[sflag:s14] =	ssyncset.done @!p1 $0x0  }
0x20: {  	s12 =	smov.u32 s16;
	s11 =	smov.u32 s15;
	[sflag:s14] =	ssyncadd.s32 @!p1 $0xFFFF6000  }
.LBB2_1:
0x21: {  	p1 =	sge.u32 s12, s8  }
0x22: {  	s14 =	sxor.u32 @!p1 $0xFFFFFFFF, s12  }
0x23: {  	s14 =	sand.u32 @!p1 $0x1, s14  }
0x24: {  	s14 =	smul.u32 @!p1 $0x500, s14  }
0x25: {  	s31 =	sadd.s32 $0xFFFFFFFF, s12;
	s15 =	sshrl.u32 @!p1 s11, $0x3  }
0x26: {  	s16 =	sand.u32 @!p1 $0x7, s11;
	s15 =	sadd.s32 @!p1 s9, s15;
	s14 =	sshrl.u32 @!p1 s14, $0x2  }
0x27: {  	[tilespmem:s14], [sflag:$0x2] =	stream.linear.gather @!p1 [hbm4b:s15+s16], $0x140, $0x38;
	[tilespmem:$0x14280] =	vst v63  }
0x28: {  	p1 =	sge.u32 s31, s8  }
.Ltmp2:
0x29: {  	_ = 	snop;
	(pc) =	sbr.rel @p1 .LBB2_7-.Ltmp2, $1  }
0x2a: {  	_ =	sdelay $0x3  }
0x2b: {  	s14 =	simm.s32 $0x1  }
0x2c: {  	s14 =	simm.s32 @!p0 $0x0  }
0x2d: {  	s15 =	smul.u32 $0x500, s14  }
0x2e: {  	_ =	swait.ge [sflag:s7], $0x140  }
0x2f: {  	[sflag:s7] =	ssyncset.done $0x0;
	s16 =	sshrl.u32 s15, $0x2  }
0x30: {  	[sflag:s7] =	ssyncadd.s32 $0xFFFFFEC0;
	s15 =	sadd.s32 $0x0, s16  }
0x31: {  	v0 =	vld.msk [tilespmem:s15+$0x0 ss:$0x1], $0xffff;
	_ =	sdelay $0x4  }
0x32: {  	vm2 =	vgt.s32 v0, $0x0  }
0x33: {  	v0 =	vnsel vm2, $0x0, v0  }
0x34: {  	v0 =	vmin.u32 v0, $0x1869F  }
0x35: {  	v0 =	vshll.u32 v0, $0x4  }
0x36: {  	s14 =	smul.u32 $0x28000, s14;
	_ =	sdelay $0x1  }
0x37: {  	s14 =	sshrl.u32 s14, $0x2  }
0x38: {  	s14 =	sor.u32 $0x280, s14  }
0x39: {  	[tilespmem:s14], [sflag:$0x1] =	stream.indirect_vreg.gather [hbm:s4], $0x80, v0, vm0, $0x38;
	[tilespmem:$0x14280] =	vst v63  }
0x3a: {  	s17 =	sadd.s32 $0x10, s16;
	s15 =	sadd.s32 $0x400, s14  }
0x3b: {  	[tilespmem:s15], [sflag:$0x1] =	stream.indirect_vreg.gather [hbm:s4], $0x80, v0, vm1, $0x38;
	[tilespmem:$0x14280] =	vst v63  }
0x3c: {  	s18 =	simm.s32 $0x80;
	v0 =	vld.msk [tilespmem:s17+$0x0 ss:$0x1], $0xffff;
	s17 =	smov.u32 s14  }
.LBB2_3:
0x3d: {  	p1 =	sne.s32 s18, $0x4C0;
	_ =	sdelay $0x4  }
0x3e: {  	vm2 =	vgt.s32 v0, $0x0  }
0x3f: {  	v0 =	vnsel vm2, $0x0, v0  }
0x40: {  	v0 =	vmin.u32 v0, $0x1869F  }
0x41: {  	v0 =	vshll.u32 v0, $0x4;
	_ =	sdelay $0x3  }
.Ltmp3:
0x42: {  	s19 =	sshra.s32 s18, $0x2;
	s17 =	sadd.s32 $0x800, s17;
	(pc) =	sbr.rel @p1 .LBB2_3-.Ltmp3, $4  }
0x43: {  	[tilespmem:s17], [sflag:$0x1] =	stream.indirect_vreg.gather [hbm:s4], $0x80, v0, vm0, $0x38;
	[tilespmem:$0x14280] =	vst v63  }
0x44: {  	s19 =	sadd.s32 s19, s16;
	s20 =	sadd.s32 $0x400, s17  }
0x45: {  	[tilespmem:s20], [sflag:$0x1] =	stream.indirect_vreg.gather [hbm:s4], $0x80, v0, vm1, $0x38;
	[tilespmem:$0x14280] =	vst v63  }
0x46: {  	s18 =	sadd.s32 $0x40, s18;
	v0 =	vld.msk [tilespmem:s19+$0x0 ss:$0x1], $0xffff  }
0x47: {  	_ =	sdelay $0x3  }
0x48: {  	vm2 =	vgt.s32 v0, $0x0  }
0x49: {  	v0 =	vnsel vm2, $0x0, v0  }
0x4a: {  	v0 =	vmin.u32 v0, $0x1869F  }
0x4b: {  	v0 =	vshll.u32 v0, $0x4;
	_ =	sdelay $0x3  }
0x4c: {  	s16 =	sadd.s32 $0x800, s17  }
0x4d: {  	[tilespmem:s16], [sflag:$0x1] =	stream.indirect_vreg.gather [hbm:s4], $0x80, v0, vm0, $0x38;
	[tilespmem:$0x14280] =	vst v63  }
0x4e: {  	s16 =	sadd.s32 $0x400, s16  }
0x4f: {  	[tilespmem:s16], [sflag:$0x1] =	stream.indirect_vreg.gather [hbm:s4], $0x80, v0, vm1, $0x38;
	[tilespmem:$0x14280] =	vst v63  }
0x50: {  	s13 =	sshll.u32 s13, $0x4;
	_ =	swait.ge [sflag:s6], $0xA000  }
0x51: {  	s13 =	sadd.s32 s13, s5;
	[sflag:s6] =	ssyncset.done $0x0  }
0x52: {  	s17 =	sadd.s32 $0x0, s13;
	s16 =	simm.s32 $0x80;
	[sflag:s6] =	ssyncadd.s32 $0xFFFF6000  }
.LBB2_5:
0x53: {  	[hbm:s17] =	stream.linear.scatter [tilespmem:s14], [sflag:$0x3], $0x400, $0x38;
	[tilespmem:$0x14280] =	vst v63  }
0x54: {  	s17 =	smov.u32 s16;
	s14 =	smov.u32 s15;
	p1 =	sne.s32 s16, $0x1380  }
.Ltmp4:
0x55: {  	s16 =	sadd.s32 $0x80, s16;
	(pc) =	sbr.rel @p1 .LBB2_5-.Ltmp4, $2  }
0x56: {  	_ =	sdelay $0x2  }
0x57: {  	s15 =	sadd.s32 $0x400, s15;
	s17 =	sadd.s32 s17, s13  }
.Ltmp5:
0x58: {  	_ = 	snop;
	(pc) =	sbr.rel .LBB2_6-.Ltmp5, $1  }
0x59: {  	_ =	sdelay $0x3  }
.LBB2_8:
0x5a: {  	_ =	sfence.sel $0x180000  }
0x5b: {  	s1 =	simm.s32 $0x2;
	[bflag:$0x0] =	sbarrier.arrive $0xFFFF  }
0x5c: {  	s30 =	simm.s32 $0x3;
	[sflag:s1] =	ssyncpa.u1 $0x1  }
0x5d: {  	s31 =	simm.s32 $0x1;
	[sflag:s30] =	ssyncpa.u1 $0x1  }
0x5e: {  	[sflag:s31] =	ssyncpa.u1 $0x1  }
0x5f: {  	p0 =	sne.s32 s0, $0x0;
	_ =	strace $0x90000047  }
0x60: {  	s0 =	sadd.s32 @!p0 $0x100000, s2;
	[bflag:$0x2] =	sbarrier.arrive $0xFFFF  }
0x61: {  	[sflag:s0] =	ssyncadd.tile.s32 @!p0 $0x1;
	_ =	shalt  }
.Lfunc_end2:
_tile_overlayer_lowered:
.L_overlay_start_2:
0x62: {  	(tag) =	ssettag $0x2  }
0x63: {  	s0 =	rddreg [dreg:$0x0];
	s2 =	stileid.u32  }
0x64: {  	s1 =	rddreg [dreg:$0x1];
	p0 =	sne.s32 s2, $0x0  }
0x65: {  	s3 =	rddreg [dreg:$0x2];
	[bflag:$0x3] =	sbarrier.arrive $0xFFFF;
	s2 =	simm.s32 @!p0 $0x1C01  }
0x66: {  	[timem:s3], [sflag:s2] =	dma.local @!p0 [hbm:s0], s1  }
0x67: {  	s0 =	simm.s32 @!p0 $0x1  }
0x68: {  	_ =	swait.ge @!p0 [sflag:s0], s1  }
0x69: {  	s1 =	ssub.s32 @!p0 $0x0, s1;
	[sflag:s0] =	ssyncset.done @!p0 $0x0  }
0x6a: {  	[sflag:s0] =	ssyncadd.s32 @!p0 s1  }
0x6b: {  	[bflag:$0x3] =	sbarrier.arrive $0xFFFF  }
0x6c: {  	_ =	shalt  }

// kernel: sparse-core-data-format-call.cloned.1.call-start
scs
called_computation_lowered:
.L_overlay_start_0:
0x0: {  	s2 =	sld [smem:$0x3FD9]  }
0x1: {  	s3 =	sld [smem:$0x3FFE];
	_ =	sdelay $0x1  }
0x2: {  	s1 =	srdreg.scid  }
0x3: {  	s0 =	sand.u32 $0x1, s1  }
0x4: {  	s15 =	sshll.u32 s0, $0xA;
	s2 =	sadd.s32 s3, s2  }
0x5: {  	s2 =	sadd.s32 s2, s15  }
0x6: {  	[smem:$0x3FC6] =	sst s2  }
0x7: {  	_ = 	snop  }
0x8: {  	s2 =	sld [smem:$0x3FD0];
	_ =	sdelay $0x2  }
0x9: {  	s16 =	simm.s32 $0xA;
	s4 =	simm.s32 $0x10  }
0xa: {  	[smem:s4], [sflag:s16] =	dma.local [hbm:s2], $0x1  }
0xb: {  	_ =	swait.eq [sflag:s16], $0x1  }
0xc: {  	[sflag:s16] =	ssyncset.done $0x0  }
0xd: {  	[sflag:s16] =	ssyncadd.s32 $0xFFFFFFFF  }
0xe: {  	s17 =	sld [smem:$0x11];
	(tm) =	ssettm $0x1  }
0xf: {  	s18 =	sld [smem:$0x3FFB];
	_ =	sdelay $0x3  }
0x10: {  	_ =	strace s18  }
0x11: {  	s3 =	sld [smem:$0x3FFC];
	_ =	sdelay $0x3  }
0x12: {  	_ =	strace s3  }
0x13: {  	s3 =	sld [smem:$0x3FFD];
	_ =	sdelay $0x3  }
0x14: {  	_ =	strace s3  }
0x15: {  	_ =	strace $0x8FFFFFFF  }
0x16: {  	s19 =	sld [smem:$0x3FDB];
	_ =	sdelay $0x1  }
0x17: {  	s20 =	simm.s32 $_scs_section_size  }
0x18: {  	s5 =	simm.s32 $_size__tile_overlayer_lowered;
	s6 =	simm.s32 $_tile_overlayer_lowered  }
0x19: {  	s23 =	simm.s32 $0x1BFF;
	s22 =	sshll.u32 s6, $0x1;
	s3 =	sadd.s32 s20, s19  }
0x1a: {  	s7 =	simm.s32 $0x0;
	s21 =	sshll.u32 s5, $0x1;
	s5 =	sadd.s32 s22, s3  }
0x1b: {  	[timem:s7], [sflag:s23] =	dma.local [hbm:s5], s21  }
0x1c: {  	_ =	swait.ge [sflag:s23], s21  }
0x1d: {  	s4 =	ssub.s32 $0x0, s21;
	[sflag:s23] =	ssyncset.done $0x0  }
0x1e: {  	[sflag:s23] =	ssyncadd.s32 s4;
	_ =	sdelay $0x1  }
0x1f: {  	s24 =	simm.s32 $0x1B8B  }
0x20: {  	_ =	swait.ge [sflag:s24], $0x1  }
0x21: {  	[sflag:s24] =	ssyncset.done $0x0  }
0x22: {  	s26 =	simm.s32 $0x1B8E;
	s25 =	sld [smem:$0x3FFE];
	[sflag:s24] =	ssyncadd.s32 $0xFFFFFFFF  }
0x23: {  	s27 =	simm.s32 $execute0_lowered;
	[smem:$0x3FD2] =	sst s26  }
0x24: {  	s5 =	sshll.u32 s27, $0x1;
	_ =	strace $0x80000049;
	[dreg:$0x1] =	wrdreg $0xFFFFFFFF  }
0x25: {  	s28 =	simm.s32 $_size_execute0_lowered;
	s3 =	sadd.s32 s3, s5;
	[dreg:$0x0] =	wrdreg $0x0  }
0x26: {  	s5 =	sshll.u32 s28, $0x1;
	[dreg:$0x2] =	wrdreg s3  }
0x27: {  	[dreg:$0x3] =	wrdreg s5  }
0x28: {  	[dreg:$0x4] =	wrdreg $0xC0  }
0x29: {  	_ =	task [dreg:s7], $0x5FFFF  }
0x2a: {  	[dreg:$0x1] =	wrdreg $0xFFFFFFFF  }
0x2b: {  	[dreg:$0x0] =	wrdreg $0x60  }
0x2c: {  	[dreg:$0x2] =	wrdreg s25  }
0x2d: {  	[dreg:$0x3] =	wrdreg s17  }
0x2e: {  	[dreg:$0x4] =	wrdreg $0x9  }
0x2f: {  	_ =	task.clear_ibuf [dreg:s7], $0x5FFFF;
	_ =	strace $0x90000049  }
0x30: {  	s29 =	simm.s32 $0x9;
	_ =	strace $0x8000004B  }
0x31: {  	_ =	swait.ge [sflag:s29], $0x1  }
0x32: {  	[sflag:s29] =	ssyncadd.s32 $0xFFFFFFFF  }
0x33: {  	_ =	strace $0x9000004B  }
0x34: {  	_ =	sfence  }
0x35: {  	s30 =	sld [smem:$0x0];
	_ =	sdelay $0x2  }
0x36: {  	s31 =	sshll.u32 s1, $0xD;
	s1 =	sshrl.u32 s1, $0x2  }
0x37: {  	s3 =	sand.u32 $0x4000, s31;
	s1 =	sadd.s32 s1, s30  }
0x38: {  	s0 =	sor.u32 s3, s0;
	s1 =	sshll.u32 s1, $0x11  }
0x39: {  	s0 =	sor.u32 s1, s0  }
0x3a: {  	s0 =	sadd.s32 $0x8F2B, s0  }
0x3b: {  	[sflag:s0] =	ssyncadd.remote.s32 $0x1  }
0x3c: {  	_ =	sfence.sel $0xFFFF  }
0x3d: {  	[dreg:$0x0] =	wrdreg $0xFFFFFFFF;
	(pc) =	sbr.abs _section_cstart, $3  }
0x3e: {  	[dreg:$0x1] =	wrdreg $0xFFFFFFFF  }
0x3f: {  	_ =	task.clear_ibuf [dreg:s7], $0x2FFFF;
	_ =	strace $0x9FFFFFFF  }
0x40: {  	(tm) =	ssettm $0x7FFFFFFF  }
0x41: {  	_ =	shalt  }
tec
execute0_lowered:
.L_overlay_start_1:
0x0: {  	(tag) =	ssettag $0x1  }
0x1: {  	s7 =	rddreg [dreg:$0x0]  }
0x2: {  	s0 =	stileid.u32;
	s1 =	srdreg.scid  }
0x3: {  	s2 =	rddreg [dreg:$0x1];
	s5 =	simm.s32 $0x1;
	s9 =	simm.s32 $0x2  }
0x4: {  	s17 =	simm.s32 $0x0;
	s18 =	simm.s32 $0x0;
	s16 =	simm.s32 $0x0  }
0x5: {  	s11 =	simm.s32 $0x0;
	s12 =	simm.s32 $0x0;
	s14 =	simm.s32 $0x0  }
0x6: {  	s15 =	simm.s32 $0x0;
	s3 =	sshll.u32 s1, $0x6;
	s4 =	sshll.u32 s0, $0x2  }
0x7: {  	s1 =	rddreg [dreg:$0x2];
	_ =	strace $0x8000004A;
	s3 =	sor.u32 s4, s3  }
0x8: {  	s4 =	sand.u32 $0x1, s0;
	[sflag:s5] =	ssyncpa.u1 $0x0;
	s3 =	sand.u32 $0x78, s3  }
0x9: {  	s6 =	ssub.s32 $0x32, s4;
	[sflag:s9] =	ssyncpa.u1 $0x0;
	s8 =	ssub.s32 $0x64, s3  }
0xa: {  	s9 =	simm.s32 $0x0;
	s13 =	smov.u32 s4;
	p0 =	sgt.s32 s8, $0x0  }
.Ltmp0:
0xb: {  	s10 =	sshrl.u32 s6, $0x1;
	s8 =	simm.s32 @!p0 $0x0;
	(pc) =	sbr.rel .LBB1_1-.Ltmp0, $4  }
0xc: {  	s6 =	ssub.s32 s6, s10;
	s10 =	sshll.u32 s3, $0x4;
	s8 =	sand.u32 $0x7C, s8  }
0xd: {  	p1 =	slt.u32 s3, $0x68;
	p0 =	seq.s32 s8, $0x0;
	s8 =	sadd.s32 $0xFFFFF980, s10  }
0xe: {  	s6 =	simm.s32 @p0 $0x0;
	s8 =	smov.u32 @p1 s10;
	p0 =	por $0x0, $0x0  }
0xf: {  	s10 =	simm.s32 $0x0;
	s7 =	sadd.s32 s7, s8;
	s8 =	sadd.s32 $0x1, s6  }
.LBB1_7:
0x10: {  	p1 =	slt.u32 s15, $0x2;
	s19 =	smov.u32 s18  }
0x11: {  	s21 =	smov.u32 s14;
	p2 =	sgt.s32 @!p1 s18, $0x31;
	s20 =	sshra.s32 @!p1 s18, $0x1F  }
0x12: {  	p3 =	sgt.s32 @!p1 s17, $0x63;
	p2 =	por !p2, p1;
	s18 =	sand.u32 @!p1 s20, s18  }
0x13: {  	p3 =	por !p3, p1;
	s19 =	simm.s32 @p2 $0x31;
	p2 =	sgt.s32 @!p1 s17, $0x5C  }
0x14: {  	s18 =	ssub.s32 @!p1 s19, s18;
	p2 =	por !p2, p1;
	s19 =	ssub.s32 @!p1 $0x0, s16  }
0x15: {  	s20 =	sadd.s32 @!p1 $0xFFFFFFCF, s18;
	s17 =	simm.s32 @p2 $0x5C;
	s16 =	smin.u32 @!p1 s16, s19  }
0x16: {  	s18 =	ssub.s32 @!p1 $0x32, s18;
	p2 =	sgt.s32 @!p1 s16, $0xF;
	s16 =	sshll.u32 @!p1 s16, $0x7  }
0x17: {  	s17 =	ssub.s32 @!p1 $0x64, s17;
	s16 =	ssub.s32 @!p1 $0x800, s16;
	p2 =	por !p2, p1  }
0x18: {  	s17 =	simm.s32 @!p3 $0x0;
	p3 =	sgt.s32 @!p1 s20, $0x0;
	s16 =	simm.s32 @!p2 $0x0  }
0x19: {  	s19 =	sadd.s32 $0x2, s13;
	p2 =	por !p3, p1;
	s16 =	smul.u32 @!p1 s17, s16  }
0x1a: {  	s18 =	simm.s32 @!p2 $0x0;
	p2 =	sgt.s32 s19, $0x31;
	s17 =	sadd.s32 $0x10, s14  }
0x1b: {  	s23 =	sadd.s32 $0x1, s15;
	p0 =	por !p0, !p0;
	s21 =	smov.u32 @p2 s17  }
0x1c: {  	s20 =	simm.s32 @!p1 $0x2;
	s19 =	smov.u32 @p2 s4;
	p2 =	sgt.s32 s21, $0xF  }
0x1d: {  	s16 =	smul.u32 @!p1 s18, s16;
	s21 =	simm.s32 @p2 $0x0;
	p2 =	sne.s32 s15, s8  }
.Ltmp1:
0x1e: {  	s17 =	smov.u32 s10;
	s10 =	smov.u32 s3;
	(pc) =	sbr.rel @!p2 .LBB1_8-.Ltmp1, $4  }
0x1f: {  	s18 =	smov.u32 s11;
	s11 =	smov.u32 s13;
	s16 =	sand.u32 @!p1 $0x3FFFFF80, s16  }
0x20: {  	s13 =	smov.u32 s19;
	s15 =	smov.u32 s23;
	_ =	swait.ge @!p1 [sflag:s20], s16  }
0x21: {  	s22 =	ssub.s32 @!p1 $0x0, s16;
	s16 =	smov.u32 s12;
	[sflag:s20] =	ssyncset.done @!p1 $0x0  }
0x22: {  	s12 =	smov.u32 s14;
	s14 =	smov.u32 s21;
	[sflag:s20] =	ssyncadd.s32 @!p1 s22  }
.LBB1_1:
0x23: {  	p1 =	sge.u32 s15, s6  }
0x24: {  	s20 =	smul.u32 @!p1 $0x14500, s14  }
0x25: {  	s31 =	sadd.s32 $0xFFFFFFFF, s15;
	s19 =	sxor.u32 @!p1 $0xFFFFFFFF, s15;
	s21 =	smul.u32 @!p1 $0x680, s13  }
0x26: {  	s22 =	simm.s32 @!p1 $0xA2800;
	s19 =	sshll.u32 @!p1 s19, $0xE;
	s20 =	sadd.s32 @!p1 s20, s7  }
0x27: {  	s19 =	sand.u32 @!p1 $0x4000, s19;
	s20 =	sadd.s32 @!p1 s21, s20;
	s21 =	simm.s32 @!p1 $0x400  }
0x28: {  	[tilespmem:s19], [sflag:$0x1] =	stream.strided.gather @!p1 [hbm4b:s20+s21], $0x4000, s22, s21, $0x38;
	[tilespmem:$0x10000] =	vst v63  }
0x29: {  	p1 =	sge.u32 s31, s6  }
.Ltmp2:
0x2a: {  	_ = 	snop;
	(pc) =	sbr.rel @p1 .LBB1_7-.Ltmp2, $1  }
0x2b: {  	_ =	sdelay $0x3  }
0x2c: {  	s19 =	simm.s32 $0x1;
	_ =	swait.ge [sflag:s5], $0x4000;
	s22 =	sshll.u32 s15, $0xE  }
0x2d: {  	s19 =	simm.s32 @!p0 $0x0;
	[sflag:s5] =	ssyncset.done $0x0;
	s31 =	sand.u32 $0x4000, s22  }
0x2e: {  	s22 =	simm.s32 $0x0;
	s19 =	sshll.u32 s19, $0xE;
	[sflag:s5] =	ssyncadd.s32 $0xFFFFC000  }
0x2f: {  	s20 =	sor.u32 $0x8040, s19;
	s21 =	sor.u32 $0x40, s19;
	s19 =	sor.u32 $0x8000, s31  }
.LBB1_3:
0x30: {  	v0 =	vmov s21;
	_ =	sdelay $0x3  }
0x31: {  	s24 =	simm.s32 $0x0  }
0x32: {  	v6 =	vld.idx.msk [tilespmem:v0+s24+$0x30 ss:$0x1], $0xffff  }
0x33: {  	v7 =	vld.idx.msk [tilespmem:v0+s24+$0xFFFFFFC0 ss:$0x1], $0xffff  }
0x34: {  	v5 =	vld.idx.msk [tilespmem:v0+s24+$0xFFFFFFD0 ss:$0x1], $0xffff  }
0x35: {  	v4 =	vld.idx.msk [tilespmem:v0+s24+$0xFFFFFFE0 ss:$0x1], $0xffff  }
0x36: {  	v3 =	vld.idx.msk [tilespmem:v0+s24+$0xFFFFFFF0 ss:$0x1], $0xffff  }
0x37: {  	v1 =	vld.idx.msk [tilespmem:v0+s24+$0x0 ss:$0x1], $0xffff  }
0x38: {  	v2 =	vld.idx.msk [tilespmem:v0+s24+$0x10 ss:$0x1], $0xffff;
	[tilespmem:s20+$0x30] =	vst v6  }
0x39: {  	s23 =	simm.s32 $0x80;
	s25 =	simm.s32 $0x400;
	[tilespmem:s20+$0xFFFFFFC0] =	vst v7;
	v6 =	vld.idx.msk [tilespmem:v0+s24+$0x20 ss:$0x1], $0xffff;
	s24 =	smov.u32 s20  }
.LBB1_4:
0x3a: {  	p1 =	sne.s32 s25, $0xE00;
	v7 =	vld.idx.msk [tilespmem:v0+s23+$0x30 ss:$0x1], $0xffff;
	[tilespmem:s24+$0xFFFFFFD0] =	vst v5  }
0x3b: {  	v8 =	vld.idx.msk [tilespmem:v0+s23+$0xFFFFFFC0 ss:$0x1], $0xffff;
	[tilespmem:s24+$0xFFFFFFE0] =	vst v4  }
0x3c: {  	v5 =	vld.idx.msk [tilespmem:v0+s23+$0xFFFFFFD0 ss:$0x1], $0xffff;
	[tilespmem:s24+$0xFFFFFFF0] =	vst v3  }
.Ltmp3:
0x3d: {  	v4 =	vld.idx.msk [tilespmem:v0+s23+$0xFFFFFFE0 ss:$0x1], $0xffff;
	[tilespmem:s24+$0x0] =	vst v1;
	(pc) =	sbr.rel @p1 .LBB1_4-.Ltmp3, $4  }
0x3e: {  	v3 =	vld.idx.msk [tilespmem:v0+s23+$0xFFFFFFF0 ss:$0x1], $0xffff;
	[tilespmem:s24+$0x10] =	vst v2  }
0x3f: {  	v1 =	vld.idx.msk [tilespmem:v0+s23+$0x0 ss:$0x1], $0xffff;
	[tilespmem:s24+$0x20] =	vst v6;
	s24 =	sadd.s32 $0x800, s24  }
0x40: {  	v2 =	vld.idx.msk [tilespmem:v0+s23+$0x10 ss:$0x1], $0xffff;
	[tilespmem:s24+$0x30] =	vst v7  }
0x41: {  	[tilespmem:s24+$0xFFFFFFC0] =	vst v8;
	v6 =	vld.idx.msk [tilespmem:v0+s23+$0x20 ss:$0x1], $0xffff;
	s23 =	sshra.s32 s25, $0x2;
	s25 =	sadd.s32 $0x200, s25  }
0x42: {  	_ =	sdelay $0x2  }
0x43: {  	[tilespmem:s24+$0xFFFFFFD0] =	vst v5  }
0x44: {  	v56 =	vld.idx.msk [tilespmem:v0+s23+$0x30 ss:$0x1], $0xffff;
	[tilespmem:s24+$0xFFFFFFE0] =	vst v4  }
0x45: {  	v57 =	vld.idx.msk [tilespmem:v0+s23+$0xFFFFFFC0 ss:$0x1], $0xffff;
	[tilespmem:s24+$0xFFFFFFF0] =	vst v3  }
0x46: {  	v58 =	vld.idx.msk [tilespmem:v0+s23+$0xFFFFFFD0 ss:$0x1], $0xffff;
	[tilespmem:s24+$0x0] =	vst v1  }
0x47: {  	v59 =	vld.idx.msk [tilespmem:v0+s23+$0xFFFFFFE0 ss:$0x1], $0xffff;
	[tilespmem:s24+$0x10] =	vst v2  }
0x48: {  	v60 =	vld.idx.msk [tilespmem:v0+s23+$0xFFFFFFF0 ss:$0x1], $0xffff;
	s31 =	sadd.s32 $0x800, s24;
	[tilespmem:s24+$0x20] =	vst v6  }
0x49: {  	v61 =	vld.idx.msk [tilespmem:v0+s23+$0x0 ss:$0x1], $0xffff;
	[tilespmem:s31+$0x30] =	vst v56  }
0x4a: {  	v62 =	vld.idx.msk [tilespmem:v0+s23+$0x10 ss:$0x1], $0xffff;
	s22 =	sadd.s32 $0x1, s22;
	[tilespmem:s31+$0xFFFFFFC0] =	vst v57  }
0x4b: {  	v63 =	vld.idx.msk [tilespmem:v0+s23+$0x20 ss:$0x1], $0xffff;
	p1 =	sne.s32 s22, $0x10;
	[tilespmem:s31+$0xFFFFFFD0] =	vst v58  }
.Ltmp4:
0x4c: {  	[tilespmem:s31+$0xFFFFFFE0] =	vst v59;
	(pc) =	sbr.rel @p1 .LBB1_3-.Ltmp4, $4  }
0x4d: {  	[tilespmem:s31+$0xFFFFFFF0] =	vst v60  }
0x4e: {  	[tilespmem:s31+$0x0] =	vst v61  }
0x4f: {  	[tilespmem:s31+$0x10] =	vst v62  }
0x50: {  	s20 =	sadd.s32 $0x80, s20;
	s21 =	sadd.s32 $0x400, s21;
	[tilespmem:s31+$0x20] =	vst v63  }
0x51: {  	p1 =	sgt.s32 s11, $0x31;
	s20 =	smov.u32 s11  }
0x52: {  	s21 =	sshra.s32 s11, $0x1F;
	s22 =	ssub.s32 $0x0, s12;
	s23 =	smov.u32 s10  }
0x53: {  	p2 =	sgt.u32 s10, $0x63;
	s28 =	smul.u32 $0x6400, s11;
	s20 =	simm.s32 @!p1 $0x31  }
0x54: {  	s21 =	sand.u32 s21, s11;
	p1 =	sgt.s32 s10, $0x5C;
	s22 =	smin.u32 s12, s22  }
0x55: {  	s23 =	simm.s32 @!p1 $0x5C;
	p1 =	sgt.s32 s22, $0xF;
	s22 =	sshll.u32 s22, $0x7  }
0x56: {  	s20 =	ssub.s32 s20, s21;
	s23 =	ssub.s32 $0x64, s23;
	s22 =	ssub.s32 $0x800, s22  }
0x57: {  	s21 =	sadd.s32 $0xFFFFFFCF, s20;
	s23 =	simm.s32 @p2 $0x0;
	s22 =	simm.s32 @p1 $0x0  }
0x58: {  	s20 =	ssub.s32 $0x32, s20;
	p1 =	sgt.s32 s21, $0x0;
	s22 =	smul.u32 s23, s22  }
.Ltmp5:
0x59: {  	s29 =	sshll.u32 s12, $0x4;
	s20 =	simm.s32 @p1 $0x0;
	(pc) =	sbr.rel .LBB1_7-.Ltmp5, $4  }
0x5a: {  	s30 =	sand.u32 $0xF0, s29;
	s21 =	sadd.s32 s2, s28;
	s20 =	smul.u32 s20, s22  }
0x5b: {  	s31 =	sshll.u32 s10, $0x8;
	s21 =	sadd.s32 s30, s21  }
0x5c: {  	s21 =	sadd.s32 s31, s21;
	s20 =	sand.u32 $0x3FFFFF80, s20  }
0x5d: {  	[hbm4b:s21+s9] =	stream.linear.scatter [tilespmem:s19], [sflag:$0x2], s20, $0x38;
	[tilespmem:$0x10000] =	vst v63  }
.LBB1_8:
0x5e: {  	_ =	sfence.sel $0x180000  }
0x5f: {  	s2 =	simm.s32 $0x1;
	[bflag:$0x0] =	sbarrier.arrive $0xFFFF  }
0x60: {  	s31 =	simm.s32 $0x2;
	[sflag:s2] =	ssyncpa.u1 $0x1  }
0x61: {  	[sflag:s31] =	ssyncpa.u1 $0x1  }
0x62: {  	p0 =	sne.s32 s0, $0x0;
	_ =	strace $0x9000004A  }
0x63: {  	s0 =	sadd.s32 @!p0 $0x100000, s1;
	[bflag:$0x2] =	sbarrier.arrive $0xFFFF  }
0x64: {  	[sflag:s0] =	ssyncadd.tile.s32 @!p0 $0x1;
	_ =	shalt  }
.Lfunc_end1:
_tile_overlayer_lowered:
.L_overlay_start_2:
0x65: {  	(tag) =	ssettag $0x2  }
0x66: {  	s0 =	rddreg [dreg:$0x0];
	s2 =	stileid.u32  }
0x67: {  	s1 =	rddreg [dreg:$0x1];
	p0 =	sne.s32 s2, $0x0  }
0x68: {  	s3 =	rddreg [dreg:$0x2];
	[bflag:$0x3] =	sbarrier.arrive $0xFFFF;
	s2 =	simm.s32 @!p0 $0x1C01  }
0x69: {  	[timem:s3], [sflag:s2] =	dma.local @!p0 [hbm:s0], s1  }
0x6a: {  	s0 =	simm.s32 @!p0 $0x1  }
0x6b: {  	_ =	swait.ge @!p0 [sflag:s0], s1  }
0x6c: {  	s1 =	ssub.s32 @!p0 $0x0, s1;
	[sflag:s0] =	ssyncset.done @!p0 $0x0  }
0x6d: {  	[sflag:s0] =	ssyncadd.s32 @!p0 s1  }
0x6e: {  	[bflag:$0x3] =	sbarrier.arrive $0xFFFF  }
0x6f: {  	_ =	shalt  }

</sc_bundles>
